<compile_context>
chip_gen: v7x
topology: tpu7x:2x2x1
jax: 0.10.2.dev20260603
libtpu: 0.0.44.dev20260713+nightly
codegen_flags: <defaults>
</compile_context>

<pallas_src>
import functools

import jax
import jax.numpy as jnp
from jax import lax
from jax.experimental import pallas as pl
from jax.experimental.pallas import tpu as pltpu
from jax.experimental.pallas import tpu_sc as plsc

_EMB = 128
_CHUNK = 128
_NB = 2
_NC = 2
_NS = 16
_NW = _NC * _NS


_ROWS_PER_BUF = 256


@functools.lru_cache(maxsize=None)
def _build(B: int):
    per_w = B // _NW
    G = per_w // _ROWS_PER_BUF
    R = G // _NB
    K = _ROWS_PER_BUF // _CHUNK

    mesh = plsc.VectorSubcoreMesh(
        core_axis_name="c", subcore_axis_name="s",
        num_cores=_NC, num_subcores=_NS,
    )

    @functools.partial(
        pl.kernel,
        out_type=jax.ShapeDtypeStruct((B, _EMB), jnp.float32),
        mesh=mesh,
        scratch_types=[
            pltpu.VMEM((G * K, _CHUNK), jnp.int32),
            pltpu.VMEM((_NB, _ROWS_PER_BUF, _EMB), jnp.float32),
        ] + [pltpu.SemaphoreType.DMA] * (1 + 2 * _NB),
    )
    def gather_kernel(idx_hbm, table_hbm, out_hbm, idx_v, rows_v, *sems):
        isem = sems[0]
        gsems = sems[1:1 + _NB]
        osems = sems[1 + _NB:]

        wid = lax.axis_index("s") * _NC + lax.axis_index("c")
        base = wid * per_w

        pltpu.async_copy(idx_hbm.at[wid], idx_v, isem).wait()

        def gather(g, b, k):
            return pltpu.make_async_copy(
                table_hbm.at[idx_v.at[g * K + k]],
                rows_v.at[b].at[pl.ds(k * _CHUNK, _CHUNK)],
                gsems[b])

        def out(g, b):
            return pltpu.make_async_copy(
                rows_v.at[b],
                out_hbm.at[pl.ds(base + g * _ROWS_PER_BUF, _ROWS_PER_BUF)],
                osems[b])

        for b in range(_NB):
            for k in range(K):
                gather(b, b, k).start()

        def round_body(r, carry):
            g0 = r * _NB
            for b in range(_NB):
                for k in range(K):
                    gather(g0 + b, b, k).wait()
                out(g0 + b, b).start()

            @pl.when(r < R - 1)
            def _():
                for b in range(_NB):
                    out(g0 + b, b).wait()
                    for k in range(K):
                        gather(g0 + _NB + b, b, k).start()

            @pl.when(r == R - 1)
            def _():
                for b in range(_NB):
                    out(g0 + b, b).wait()

            return carry

        lax.fori_loop(0, R, round_body, 0)

    return gather_kernel


def kernel(neuron_ids, embedding_weight):
    batch, hist = neuron_ids.shape
    B = batch * hist
    per_w = B // _NW
    G = per_w // _CHUNK
    idx = neuron_ids.astype(jnp.int32).reshape(_NW, G, _CHUNK)
    out = _build(B)(idx, embedding_weight)
    return out.reshape(batch, hist, _EMB)

# --- scband reference (transcript-rebuilt; emitter-appended) ---
"""Pipeline reference for scband-neuron-tokenizer-35038343201293 (READ-ONLY COPY).

The authoritative reference and input builder live on the scoring server;
editing this copy changes nothing except your own understanding.
"""

import jax, jax.numpy as jnp
import numpy as np

NUM_NEURONS = 100000
EMB_DIM = 128
BATCH = 4096
HIST = 200

def setup_inputs(seed: int = 0) -> dict:
    key = jax.random.key(seed)
    k_idx, k_emb = jax.random.split(key)
    neuron_ids = jax.random.randint(k_idx, (BATCH, HIST), 0, NUM_NEURONS, dtype=jnp.int64)
    # nn.Embedding default init: N(0, 1)
    embedding_weight = jax.random.normal(k_emb, (NUM_NEURONS, EMB_DIM), dtype=jnp.float32)
    return {"neuron_ids": neuron_ids, "embedding_weight": embedding_weight}

def reference(neuron_ids, embedding_weight):
    # Equivalent of nn.Embedding(num_neurons, emb_dim)(neuron_ids)
    return jnp.take(embedding_weight, neuron_ids, axis=0)

if __name__ == "__main__":
    import jax
    _d = setup_inputs()
    print(jax.jit(kernel)(*tuple(_d.values())))

</pallas_src>

<mosaic_0001>
#map = affine_map<(d0, d1) -> (0, 0, 0)>
#map1 = affine_map<(d0, d1) -> (0, 0)>
module attributes {stable_mosaic.version = 14 : i64} {
  func.func @gather_kernel(%arg0: i32, %arg1: i32, %arg2: memref<32x200x128xi32, #tpu.memory_space<hbm>>, %arg3: memref<100000x128xf32, #tpu.memory_space<hbm>>, %arg4: memref<819200x128xf32, #tpu.memory_space<hbm>>, %arg5: memref<200x128xi32, #tpu.memory_space<vmem>>, %arg6: memref<2x256x128xf32, #tpu.memory_space<vmem>>, %arg7: memref<!tpu.dma_semaphore, #tpu.memory_space<semaphore_mem>>, %arg8: memref<!tpu.dma_semaphore, #tpu.memory_space<semaphore_mem>>, %arg9: memref<!tpu.dma_semaphore, #tpu.memory_space<semaphore_mem>>, %arg10: memref<!tpu.dma_semaphore, #tpu.memory_space<semaphore_mem>>, %arg11: memref<!tpu.dma_semaphore, #tpu.memory_space<semaphore_mem>>) attributes {dimension_semantics = [#tpu.dimension_semantics<core_parallel>, #tpu.dimension_semantics<subcore_parallel>], iteration_bounds = array<i64: 2, 16>, scalar_prefetch = 0 : i64, scratch_operands = 7 : i64, tpu.core_type = #tpu.core_type<sc_vector_subcore>, window_params = [{transform_indices = #map}, {transform_indices = #map1}, {transform_indices = #map1}]} {
    %mul3A = arith.constant 2 : i32
    %mul3A_0 = arith.muli %arg1, %mul3A : i32
    %add3A = arith.addi %mul3A_0, %arg0 : i32
    %mul3A_1 = arith.constant 25600 : i32
    %mul3A_2 = arith.muli %add3A, %mul3A_1 : i32
    %dma_start3A = arith.constant 0 : i32
    %dma_start3A_3 = arith.constant 0 : i32
    %dma_start3A_4 = tpu.memref_slice %arg2[%add3A, %dma_start3A, %dma_start3A_3] : memref<32x200x128xi32, #tpu.memory_space<hbm>> -> memref<1x200x128xi32, #tpu.memory_space<hbm>>
    %dma_start3A_5 = tpu.memref_squeeze %dma_start3A_4 : memref<1x200x128xi32, #tpu.memory_space<hbm>> -> memref<200x128xi32, #tpu.memory_space<hbm>>
    %dma_start3A_6 = arith.constant 0 : i32
    %dma_start3A_7 = arith.constant 0 : i32
    %dma_start3A_8 = tpu.memref_slice %arg2[%add3A, %dma_start3A_6, %dma_start3A_7] : memref<32x200x128xi32, #tpu.memory_space<hbm>> -> memref<1x200x128xi32, #tpu.memory_space<hbm>>
    %dma_start3A_9 = tpu.memref_squeeze %dma_start3A_8 : memref<1x200x128xi32, #tpu.memory_space<hbm>> -> memref<200x128xi32, #tpu.memory_space<hbm>>
    tpu.enqueue_dma source(%dma_start3A_9 : memref<200x128xi32, #tpu.memory_space<hbm>>) target(%arg5 : memref<200x128xi32, #tpu.memory_space<vmem>>) target_semaphore(%arg7 : memref<!tpu.dma_semaphore, #tpu.memory_space<semaphore_mem>>)
    %dma_wait3A = arith.constant 0 : i32
    %dma_wait3A_10 = arith.constant 0 : i32
    %dma_wait3A_11 = tpu.memref_slice %arg2[%add3A, %dma_wait3A, %dma_wait3A_10] : memref<32x200x128xi32, #tpu.memory_space<hbm>> -> memref<1x200x128xi32, #tpu.memory_space<hbm>>
    %dma_wait3A_12 = tpu.memref_squeeze %dma_wait3A_11 : memref<1x200x128xi32, #tpu.memory_space<hbm>> -> memref<200x128xi32, #tpu.memory_space<hbm>>
    %dma_wait3A_13 = arith.constant 0 : i32
    %dma_wait3A_14 = arith.constant 0 : i32
    %dma_wait3A_15 = tpu.memref_slice %arg2[%add3A, %dma_wait3A_13, %dma_wait3A_14] : memref<32x200x128xi32, #tpu.memory_space<hbm>> -> memref<1x200x128xi32, #tpu.memory_space<hbm>>
    %dma_wait3A_16 = tpu.memref_squeeze %dma_wait3A_15 : memref<1x200x128xi32, #tpu.memory_space<hbm>> -> memref<200x128xi32, #tpu.memory_space<hbm>>
    tpu.wait_dma2 semaphore(%arg7 : memref<!tpu.dma_semaphore, #tpu.memory_space<semaphore_mem>>) src(%dma_wait3A_16 : memref<200x128xi32, #tpu.memory_space<hbm>>) dst(%arg5 : memref<200x128xi32, #tpu.memory_space<vmem>>)
    %dma_start3A_17 = arith.constant 0 : i32
    %dma_start3A_18 = arith.constant 0 : i32
    %dma_start3A_19 = arith.constant 0 : i32
    %dma_start3A_20 = arith.constant 0 : i32
    %dma_start3A_21 = tpu.memref_slice %arg6[%dma_start3A_18, %dma_start3A_19, %dma_start3A_20] : memref<2x256x128xf32, #tpu.memory_space<vmem>> -> memref<1x256x128xf32, #tpu.memory_space<vmem>>
    %dma_start3A_22 = tpu.memref_squeeze %dma_start3A_21 : memref<1x256x128xf32, #tpu.memory_space<vmem>> -> memref<256x128xf32, #tpu.memory_space<vmem>>
    %dma_start3A_23 = arith.constant 0 : i32
    %dma_start3A_24 = arith.constant 0 : i32
    %dma_start3A_25 = tpu.memref_slice %dma_start3A_22[%dma_start3A_23, %dma_start3A_24] : memref<256x128xf32, #tpu.memory_space<vmem>> -> memref<128x128xf32, #tpu.memory_space<vmem>>
    %dma_start3A_26 = arith.constant 0 : i32
    %dma_start3A_27 = tpu.memref_slice %arg5[%dma_start3A_17, %dma_start3A_26] : memref<200x128xi32, #tpu.memory_space<vmem>> -> memref<1x128xi32, #tpu.memory_space<vmem>>
    %dma_start3A_28 = tpu.memref_squeeze %dma_start3A_27 : memref<1x128xi32, #tpu.memory_space<vmem>> -> memref<128xi32, #tpu.memory_space<vmem>>
    %dma_start3A_29 = arith.constant 0 : i32
    %dma_start3A_30 = arith.constant 0 : i32
    %dma_start3A_31 = tpu.memref_slice %arg3[%dma_start3A_29, %dma_start3A_30] : memref<100000x128xf32, #tpu.memory_space<hbm>> -> memref<100000x128xf32, #tpu.memory_space<hbm>>
    tpu.enqueue_indirect_dma source(%dma_start3A_31 : memref<100000x128xf32, #tpu.memory_space<hbm>>) target(%dma_start3A_25 : memref<128x128xf32, #tpu.memory_space<vmem>>) offsets(%dma_start3A_28 : memref<128xi32, #tpu.memory_space<vmem>>) semaphore(%arg8 : memref<!tpu.dma_semaphore, #tpu.memory_space<semaphore_mem>>)
    %dma_start3A_32 = arith.constant 1 : i32
    %dma_start3A_33 = arith.constant 0 : i32
    %dma_start3A_34 = arith.constant 0 : i32
    %dma_start3A_35 = arith.constant 0 : i32
    %dma_start3A_36 = tpu.memref_slice %arg6[%dma_start3A_33, %dma_start3A_34, %dma_start3A_35] : memref<2x256x128xf32, #tpu.memory_space<vmem>> -> memref<1x256x128xf32, #tpu.memory_space<vmem>>
    %dma_start3A_37 = tpu.memref_squeeze %dma_start3A_36 : memref<1x256x128xf32, #tpu.memory_space<vmem>> -> memref<256x128xf32, #tpu.memory_space<vmem>>
    %dma_start3A_38 = arith.constant 128 : i32
    %dma_start3A_39 = arith.constant 0 : i32
    %dma_start3A_40 = tpu.memref_slice %dma_start3A_37[%dma_start3A_38, %dma_start3A_39] : memref<256x128xf32, #tpu.memory_space<vmem>> -> memref<128x128xf32, #tpu.memory_space<vmem>>
    %dma_start3A_41 = arith.constant 0 : i32
    %dma_start3A_42 = tpu.memref_slice %arg5[%dma_start3A_32, %dma_start3A_41] : memref<200x128xi32, #tpu.memory_space<vmem>> -> memref<1x128xi32, #tpu.memory_space<vmem>>
    %dma_start3A_43 = tpu.memref_squeeze %dma_start3A_42 : memref<1x128xi32, #tpu.memory_space<vmem>> -> memref<128xi32, #tpu.memory_space<vmem>>
    %dma_start3A_44 = arith.constant 0 : i32
    %dma_start3A_45 = arith.constant 0 : i32
    %dma_start3A_46 = tpu.memref_slice %arg3[%dma_start3A_44, %dma_start3A_45] : memref<100000x128xf32, #tpu.memory_space<hbm>> -> memref<100000x128xf32, #tpu.memory_space<hbm>>
    tpu.enqueue_indirect_dma source(%dma_start3A_46 : memref<100000x128xf32, #tpu.memory_space<hbm>>) target(%dma_start3A_40 : memref<128x128xf32, #tpu.memory_space<vmem>>) offsets(%dma_start3A_43 : memref<128xi32, #tpu.memory_space<vmem>>) semaphore(%arg8 : memref<!tpu.dma_semaphore, #tpu.memory_space<semaphore_mem>>)
    %dma_start3A_47 = arith.constant 2 : i32
    %dma_start3A_48 = arith.constant 1 : i32
    %dma_start3A_49 = arith.constant 0 : i32
    %dma_start3A_50 = arith.constant 0 : i32
    %dma_start3A_51 = tpu.memref_slice %arg6[%dma_start3A_48, %dma_start3A_49, %dma_start3A_50] : memref<2x256x128xf32, #tpu.memory_space<vmem>> -> memref<1x256x128xf32, #tpu.memory_space<vmem>>
    %dma_start3A_52 = tpu.memref_squeeze %dma_start3A_51 : memref<1x256x128xf32, #tpu.memory_space<vmem>> -> memref<256x128xf32, #tpu.memory_space<vmem>>
    %dma_start3A_53 = arith.constant 0 : i32
    %dma_start3A_54 = arith.constant 0 : i32
    %dma_start3A_55 = tpu.memref_slice %dma_start3A_52[%dma_start3A_53, %dma_start3A_54] : memref<256x128xf32, #tpu.memory_space<vmem>> -> memref<128x128xf32, #tpu.memory_space<vmem>>
    %dma_start3A_56 = arith.constant 0 : i32
    %dma_start3A_57 = tpu.memref_slice %arg5[%dma_start3A_47, %dma_start3A_56] : memref<200x128xi32, #tpu.memory_space<vmem>> -> memref<1x128xi32, #tpu.memory_space<vmem>>
    %dma_start3A_58 = tpu.memref_squeeze %dma_start3A_57 : memref<1x128xi32, #tpu.memory_space<vmem>> -> memref<128xi32, #tpu.memory_space<vmem>>
    %dma_start3A_59 = arith.constant 0 : i32
    %dma_start3A_60 = arith.constant 0 : i32
    %dma_start3A_61 = tpu.memref_slice %arg3[%dma_start3A_59, %dma_start3A_60] : memref<100000x128xf32, #tpu.memory_space<hbm>> -> memref<100000x128xf32, #tpu.memory_space<hbm>>
    tpu.enqueue_indirect_dma source(%dma_start3A_61 : memref<100000x128xf32, #tpu.memory_space<hbm>>) target(%dma_start3A_55 : memref<128x128xf32, #tpu.memory_space<vmem>>) offsets(%dma_start3A_58 : memref<128xi32, #tpu.memory_space<vmem>>) semaphore(%arg9 : memref<!tpu.dma_semaphore, #tpu.memory_space<semaphore_mem>>)
    %dma_start3A_62 = arith.constant 3 : i32
    %dma_start3A_63 = arith.constant 1 : i32
    %dma_start3A_64 = arith.constant 0 : i32
    %dma_start3A_65 = arith.constant 0 : i32
    %dma_start3A_66 = tpu.memref_slice %arg6[%dma_start3A_63, %dma_start3A_64, %dma_start3A_65] : memref<2x256x128xf32, #tpu.memory_space<vmem>> -> memref<1x256x128xf32, #tpu.memory_space<vmem>>
    %dma_start3A_67 = tpu.memref_squeeze %dma_start3A_66 : memref<1x256x128xf32, #tpu.memory_space<vmem>> -> memref<256x128xf32, #tpu.memory_space<vmem>>
    %dma_start3A_68 = arith.constant 128 : i32
    %dma_start3A_69 = arith.constant 0 : i32
    %dma_start3A_70 = tpu.memref_slice %dma_start3A_67[%dma_start3A_68, %dma_start3A_69] : memref<256x128xf32, #tpu.memory_space<vmem>> -> memref<128x128xf32, #tpu.memory_space<vmem>>
    %dma_start3A_71 = arith.constant 0 : i32
    %dma_start3A_72 = tpu.memref_slice %arg5[%dma_start3A_62, %dma_start3A_71] : memref<200x128xi32, #tpu.memory_space<vmem>> -> memref<1x128xi32, #tpu.memory_space<vmem>>
    %dma_start3A_73 = tpu.memref_squeeze %dma_start3A_72 : memref<1x128xi32, #tpu.memory_space<vmem>> -> memref<128xi32, #tpu.memory_space<vmem>>
    %dma_start3A_74 = arith.constant 0 : i32
    %dma_start3A_75 = arith.constant 0 : i32
    %dma_start3A_76 = tpu.memref_slice %arg3[%dma_start3A_74, %dma_start3A_75] : memref<100000x128xf32, #tpu.memory_space<hbm>> -> memref<100000x128xf32, #tpu.memory_space<hbm>>
    tpu.enqueue_indirect_dma source(%dma_start3A_76 : memref<100000x128xf32, #tpu.memory_space<hbm>>) target(%dma_start3A_70 : memref<128x128xf32, #tpu.memory_space<vmem>>) offsets(%dma_start3A_73 : memref<128xi32, #tpu.memory_space<vmem>>) semaphore(%arg9 : memref<!tpu.dma_semaphore, #tpu.memory_space<semaphore_mem>>)
    %scan3A = arith.constant 0 : i32
    %scan3A_77 = arith.constant 0 : i32
    %scan3A_78 = arith.constant 50 : i32
    %scan3A_79 = arith.addi %scan3A_77, %scan3A_78 : i32
    %scan3A_80 = arith.constant 1 : i32
    scf.for %scan3A_82 = %scan3A_77 to %scan3A_79 step %scan3A_80  : i32 {
      %mul3A_83 = arith.constant 2 : i32
      %mul3A_84 = arith.muli %scan3A_82, %mul3A_83 : i32
      %add3A_85 = arith.constant 0 : i32
      %add3A_86 = arith.addi %mul3A_84, %add3A_85 : i32
      %mul3A_87 = arith.constant 2 : i32
      %mul3A_88 = arith.muli %add3A_86, %mul3A_87 : i32
      %add3A_89 = arith.constant 0 : i32
      %add3A_90 = arith.addi %mul3A_88, %add3A_89 : i32
      %dma_wait3A_91 = arith.constant 0 : i32
      %dma_wait3A_92 = arith.constant 0 : i32
      %dma_wait3A_93 = arith.constant 0 : i32
      %dma_wait3A_94 = tpu.memref_slice %arg6[%dma_wait3A_91, %dma_wait3A_92, %dma_wait3A_93] : memref<2x256x128xf32, #tpu.memory_space<vmem>> -> memref<1x256x128xf32, #tpu.memory_space<vmem>>
      %dma_wait3A_95 = tpu.memref_squeeze %dma_wait3A_94 : memref<1x256x128xf32, #tpu.memory_space<vmem>> -> memref<256x128xf32, #tpu.memory_space<vmem>>
      %dma_wait3A_96 = arith.constant 0 : i32
      %dma_wait3A_97 = arith.constant 0 : i32
      %dma_wait3A_98 = tpu.memref_slice %dma_wait3A_95[%dma_wait3A_96, %dma_wait3A_97] : memref<256x128xf32, #tpu.memory_space<vmem>> -> memref<128x128xf32, #tpu.memory_space<vmem>>
      %dma_wait3A_99 = arith.constant 0 : i32
      %dma_wait3A_100 = tpu.memref_slice %arg5[%add3A_90, %dma_wait3A_99] : memref<200x128xi32, #tpu.memory_space<vmem>> -> memref<1x128xi32, #tpu.memory_space<vmem>>
      %dma_wait3A_101 = tpu.memref_squeeze %dma_wait3A_100 : memref<1x128xi32, #tpu.memory_space<vmem>> -> memref<128xi32, #tpu.memory_space<vmem>>
      %dma_wait3A_102 = arith.constant 0 : i32
      %dma_wait3A_103 = arith.constant 0 : i32
      %dma_wait3A_104 = tpu.memref_slice %arg3[%dma_wait3A_102, %dma_wait3A_103] : memref<100000x128xf32, #tpu.memory_space<hbm>> -> memref<100000x128xf32, #tpu.memory_space<hbm>>
      tpu.wait_indirect_dma semaphore(%arg8 : memref<!tpu.dma_semaphore, #tpu.memory_space<semaphore_mem>>) src(%dma_wait3A_104 : memref<100000x128xf32, #tpu.memory_space<hbm>>) dst(%dma_wait3A_98 : memref<128x128xf32, #tpu.memory_space<vmem>>)
      %add3A_105 = arith.constant 0 : i32
      %add3A_106 = arith.addi %mul3A_84, %add3A_105 : i32
      %mul3A_107 = arith.constant 2 : i32
      %mul3A_108 = arith.muli %add3A_106, %mul3A_107 : i32
      %add3A_109 = arith.constant 1 : i32
      %add3A_110 = arith.addi %mul3A_108, %add3A_109 : i32
      %dma_wait3A_111 = arith.constant 0 : i32
      %dma_wait3A_112 = arith.constant 0 : i32
      %dma_wait3A_113 = arith.constant 0 : i32
      %dma_wait3A_114 = tpu.memref_slice %arg6[%dma_wait3A_111, %dma_wait3A_112, %dma_wait3A_113] : memref<2x256x128xf32, #tpu.memory_space<vmem>> -> memref<1x256x128xf32, #tpu.memory_space<vmem>>
      %dma_wait3A_115 = tpu.memref_squeeze %dma_wait3A_114 : memref<1x256x128xf32, #tpu.memory_space<vmem>> -> memref<256x128xf32, #tpu.memory_space<vmem>>
      %dma_wait3A_116 = arith.constant 128 : i32
      %dma_wait3A_117 = arith.constant 0 : i32
      %dma_wait3A_118 = tpu.memref_slice %dma_wait3A_115[%dma_wait3A_116, %dma_wait3A_117] : memref<256x128xf32, #tpu.memory_space<vmem>> -> memref<128x128xf32, #tpu.memory_space<vmem>>
      %dma_wait3A_119 = arith.constant 0 : i32
      %dma_wait3A_120 = tpu.memref_slice %arg5[%add3A_110, %dma_wait3A_119] : memref<200x128xi32, #tpu.memory_space<vmem>> -> memref<1x128xi32, #tpu.memory_space<vmem>>
      %dma_wait3A_121 = tpu.memref_squeeze %dma_wait3A_120 : memref<1x128xi32, #tpu.memory_space<vmem>> -> memref<128xi32, #tpu.memory_space<vmem>>
      %dma_wait3A_122 = arith.constant 0 : i32
      %dma_wait3A_123 = arith.constant 0 : i32
      %dma_wait3A_124 = tpu.memref_slice %arg3[%dma_wait3A_122, %dma_wait3A_123] : memref<100000x128xf32, #tpu.memory_space<hbm>> -> memref<100000x128xf32, #tpu.memory_space<hbm>>
      tpu.wait_indirect_dma semaphore(%arg8 : memref<!tpu.dma_semaphore, #tpu.memory_space<semaphore_mem>>) src(%dma_wait3A_124 : memref<100000x128xf32, #tpu.memory_space<hbm>>) dst(%dma_wait3A_118 : memref<128x128xf32, #tpu.memory_space<vmem>>)
      %add3A_125 = arith.constant 0 : i32
      %add3A_126 = arith.addi %mul3A_84, %add3A_125 : i32
      %mul3A_127 = arith.constant 256 : i32
      %mul3A_128 = arith.muli %add3A_126, %mul3A_127 : i32
      %add3A_129 = arith.addi %mul3A_2, %mul3A_128 : i32
      %dma_start3A_130 = arith.constant 0 : i32
      %dma_start3A_131 = arith.constant 0 : i32
      %dma_start3A_132 = arith.constant 0 : i32
      %dma_start3A_133 = tpu.memref_slice %arg6[%dma_start3A_130, %dma_start3A_131, %dma_start3A_132] : memref<2x256x128xf32, #tpu.memory_space<vmem>> -> memref<1x256x128xf32, #tpu.memory_space<vmem>>
      %dma_start3A_134 = tpu.memref_squeeze %dma_start3A_133 : memref<1x256x128xf32, #tpu.memory_space<vmem>> -> memref<256x128xf32, #tpu.memory_space<vmem>>
      %dma_start3A_135 = arith.constant 0 : i32
      %dma_start3A_136 = tpu.memref_slice %arg4[%add3A_129, %dma_start3A_135] : memref<819200x128xf32, #tpu.memory_space<hbm>> -> memref<256x128xf32, #tpu.memory_space<hbm>>
      %dma_start3A_137 = arith.constant 0 : i32
      %dma_start3A_138 = tpu.memref_slice %arg4[%add3A_129, %dma_start3A_137] : memref<819200x128xf32, #tpu.memory_space<hbm>> -> memref<256x128xf32, #tpu.memory_space<hbm>>
      %dma_start3A_139 = arith.constant 0 : i32
      %dma_start3A_140 = arith.constant 0 : i32
      %dma_start3A_141 = tpu.memref_slice %arg6[%dma_start3A_130, %dma_start3A_139, %dma_start3A_140] : memref<2x256x128xf32, #tpu.memory_space<vmem>> -> memref<1x256x128xf32, #tpu.memory_space<vmem>>
      %dma_start3A_142 = tpu.memref_squeeze %dma_start3A_141 : memref<1x256x128xf32, #tpu.memory_space<vmem>> -> memref<256x128xf32, #tpu.memory_space<vmem>>
      tpu.enqueue_dma source(%dma_start3A_142 : memref<256x128xf32, #tpu.memory_space<vmem>>) target(%dma_start3A_138 : memref<256x128xf32, #tpu.memory_space<hbm>>) target_semaphore(%arg10 : memref<!tpu.dma_semaphore, #tpu.memory_space<semaphore_mem>>)
      %add3A_143 = arith.constant 1 : i32
      %add3A_144 = arith.addi %mul3A_84, %add3A_143 : i32
      %mul3A_145 = arith.constant 2 : i32
      %mul3A_146 = arith.muli %add3A_144, %mul3A_145 : i32
      %add3A_147 = arith.constant 0 : i32
      %add3A_148 = arith.addi %mul3A_146, %add3A_147 : i32
      %dma_wait3A_149 = arith.constant 1 : i32
      %dma_wait3A_150 = arith.constant 0 : i32
      %dma_wait3A_151 = arith.constant 0 : i32
      %dma_wait3A_152 = tpu.memref_slice %arg6[%dma_wait3A_149, %dma_wait3A_150, %dma_wait3A_151] : memref<2x256x128xf32, #tpu.memory_space<vmem>> -> memref<1x256x128xf32, #tpu.memory_space<vmem>>
      %dma_wait3A_153 = tpu.memref_squeeze %dma_wait3A_152 : memref<1x256x128xf32, #tpu.memory_space<vmem>> -> memref<256x128xf32, #tpu.memory_space<vmem>>
      %dma_wait3A_154 = arith.constant 0 : i32
      %dma_wait3A_155 = arith.constant 0 : i32
      %dma_wait3A_156 = tpu.memref_slice %dma_wait3A_153[%dma_wait3A_154, %dma_wait3A_155] : memref<256x128xf32, #tpu.memory_space<vmem>> -> memref<128x128xf32, #tpu.memory_space<vmem>>
      %dma_wait3A_157 = arith.constant 0 : i32
      %dma_wait3A_158 = tpu.memref_slice %arg5[%add3A_148, %dma_wait3A_157] : memref<200x128xi32, #tpu.memory_space<vmem>> -> memref<1x128xi32, #tpu.memory_space<vmem>>
      %dma_wait3A_159 = tpu.memref_squeeze %dma_wait3A_158 : memref<1x128xi32, #tpu.memory_space<vmem>> -> memref<128xi32, #tpu.memory_space<vmem>>
      %dma_wait3A_160 = arith.constant 0 : i32
      %dma_wait3A_161 = arith.constant 0 : i32
      %dma_wait3A_162 = tpu.memref_slice %arg3[%dma_wait3A_160, %dma_wait3A_161] : memref<100000x128xf32, #tpu.memory_space<hbm>> -> memref<100000x128xf32, #tpu.memory_space<hbm>>
      tpu.wait_indirect_dma semaphore(%arg9 : memref<!tpu.dma_semaphore, #tpu.memory_space<semaphore_mem>>) src(%dma_wait3A_162 : memref<100000x128xf32, #tpu.memory_space<hbm>>) dst(%dma_wait3A_156 : memref<128x128xf32, #tpu.memory_space<vmem>>)
      %add3A_163 = arith.constant 1 : i32
      %add3A_164 = arith.addi %mul3A_84, %add3A_163 : i32
      %mul3A_165 = arith.constant 2 : i32
      %mul3A_166 = arith.muli %add3A_164, %mul3A_165 : i32
      %add3A_167 = arith.constant 1 : i32
      %add3A_168 = arith.addi %mul3A_166, %add3A_167 : i32
      %dma_wait3A_169 = arith.constant 1 : i32
      %dma_wait3A_170 = arith.constant 0 : i32
      %dma_wait3A_171 = arith.constant 0 : i32
      %dma_wait3A_172 = tpu.memref_slice %arg6[%dma_wait3A_169, %dma_wait3A_170, %dma_wait3A_171] : memref<2x256x128xf32, #tpu.memory_space<vmem>> -> memref<1x256x128xf32, #tpu.memory_space<vmem>>
      %dma_wait3A_173 = tpu.memref_squeeze %dma_wait3A_172 : memref<1x256x128xf32, #tpu.memory_space<vmem>> -> memref<256x128xf32, #tpu.memory_space<vmem>>
      %dma_wait3A_174 = arith.constant 128 : i32
      %dma_wait3A_175 = arith.constant 0 : i32
      %dma_wait3A_176 = tpu.memref_slice %dma_wait3A_173[%dma_wait3A_174, %dma_wait3A_175] : memref<256x128xf32, #tpu.memory_space<vmem>> -> memref<128x128xf32, #tpu.memory_space<vmem>>
      %dma_wait3A_177 = arith.constant 0 : i32
      %dma_wait3A_178 = tpu.memref_slice %arg5[%add3A_168, %dma_wait3A_177] : memref<200x128xi32, #tpu.memory_space<vmem>> -> memref<1x128xi32, #tpu.memory_space<vmem>>
      %dma_wait3A_179 = tpu.memref_squeeze %dma_wait3A_178 : memref<1x128xi32, #tpu.memory_space<vmem>> -> memref<128xi32, #tpu.memory_space<vmem>>
      %dma_wait3A_180 = arith.constant 0 : i32
      %dma_wait3A_181 = arith.constant 0 : i32
      %dma_wait3A_182 = tpu.memref_slice %arg3[%dma_wait3A_180, %dma_wait3A_181] : memref<100000x128xf32, #tpu.memory_space<hbm>> -> memref<100000x128xf32, #tpu.memory_space<hbm>>
      tpu.wait_indirect_dma semaphore(%arg9 : memref<!tpu.dma_semaphore, #tpu.memory_space<semaphore_mem>>) src(%dma_wait3A_182 : memref<100000x128xf32, #tpu.memory_space<hbm>>) dst(%dma_wait3A_176 : memref<128x128xf32, #tpu.memory_space<vmem>>)
      %add3A_183 = arith.constant 1 : i32
      %add3A_184 = arith.addi %mul3A_84, %add3A_183 : i32
      %mul3A_185 = arith.constant 256 : i32
      %mul3A_186 = arith.muli %add3A_184, %mul3A_185 : i32
      %add3A_187 = arith.addi %mul3A_2, %mul3A_186 : i32
      %dma_start3A_188 = arith.constant 1 : i32
      %dma_start3A_189 = arith.constant 0 : i32
      %dma_start3A_190 = arith.constant 0 : i32
      %dma_start3A_191 = tpu.memref_slice %arg6[%dma_start3A_188, %dma_start3A_189, %dma_start3A_190] : memref<2x256x128xf32, #tpu.memory_space<vmem>> -> memref<1x256x128xf32, #tpu.memory_space<vmem>>
      %dma_start3A_192 = tpu.memref_squeeze %dma_start3A_191 : memref<1x256x128xf32, #tpu.memory_space<vmem>> -> memref<256x128xf32, #tpu.memory_space<vmem>>
      %dma_start3A_193 = arith.constant 0 : i32
      %dma_start3A_194 = tpu.memref_slice %arg4[%add3A_187, %dma_start3A_193] : memref<819200x128xf32, #tpu.memory_space<hbm>> -> memref<256x128xf32, #tpu.memory_space<hbm>>
      %dma_start3A_195 = arith.constant 0 : i32
      %dma_start3A_196 = tpu.memref_slice %arg4[%add3A_187, %dma_start3A_195] : memref<819200x128xf32, #tpu.memory_space<hbm>> -> memref<256x128xf32, #tpu.memory_space<hbm>>
      %dma_start3A_197 = arith.constant 0 : i32
      %dma_start3A_198 = arith.constant 0 : i32
      %dma_start3A_199 = tpu.memref_slice %arg6[%dma_start3A_188, %dma_start3A_197, %dma_start3A_198] : memref<2x256x128xf32, #tpu.memory_space<vmem>> -> memref<1x256x128xf32, #tpu.memory_space<vmem>>
      %dma_start3A_200 = tpu.memref_squeeze %dma_start3A_199 : memref<1x256x128xf32, #tpu.memory_space<vmem>> -> memref<256x128xf32, #tpu.memory_space<vmem>>
      tpu.enqueue_dma source(%dma_start3A_200 : memref<256x128xf32, #tpu.memory_space<vmem>>) target(%dma_start3A_196 : memref<256x128xf32, #tpu.memory_space<hbm>>) target_semaphore(%arg11 : memref<!tpu.dma_semaphore, #tpu.memory_space<semaphore_mem>>)
      %lt3A = arith.constant 49 : i32
      %lt3A_201 = arith.cmpi slt, %scan3A_82, %lt3A : i32
      %convert_element_type3A = arith.extui %lt3A_201 : i1 to i32
      %cond3A = arith.constant 0 : i32
      %cond3A_202 = arith.cmpi ne, %convert_element_type3A, %cond3A : i32
      scf.if %cond3A_202 {
        %add3A_207 = arith.constant 0 : i32
        %add3A_208 = arith.addi %mul3A_84, %add3A_207 : i32
        %mul3A_209 = arith.constant 256 : i32
        %mul3A_210 = arith.muli %add3A_208, %mul3A_209 : i32
        %add3A_211 = arith.addi %mul3A_2, %mul3A_210 : i32
        %dma_wait3A_212 = arith.constant 0 : i32
        %dma_wait3A_213 = arith.constant 0 : i32
        %dma_wait3A_214 = arith.constant 0 : i32
        %dma_wait3A_215 = tpu.memref_slice %arg6[%dma_wait3A_212, %dma_wait3A_213, %dma_wait3A_214] : memref<2x256x128xf32, #tpu.memory_space<vmem>> -> memref<1x256x128xf32, #tpu.memory_space<vmem>>
        %dma_wait3A_216 = tpu.memref_squeeze %dma_wait3A_215 : memref<1x256x128xf32, #tpu.memory_space<vmem>> -> memref<256x128xf32, #tpu.memory_space<vmem>>
        %dma_wait3A_217 = arith.constant 0 : i32
        %dma_wait3A_218 = tpu.memref_slice %arg4[%add3A_211, %dma_wait3A_217] : memref<819200x128xf32, #tpu.memory_space<hbm>> -> memref<256x128xf32, #tpu.memory_space<hbm>>
        %dma_wait3A_219 = arith.constant 0 : i32
        %dma_wait3A_220 = tpu.memref_slice %arg4[%add3A_211, %dma_wait3A_219] : memref<819200x128xf32, #tpu.memory_space<hbm>> -> memref<256x128xf32, #tpu.memory_space<hbm>>
        %dma_wait3A_221 = arith.constant 0 : i32
        %dma_wait3A_222 = arith.constant 0 : i32
        %dma_wait3A_223 = tpu.memref_slice %arg6[%dma_wait3A_212, %dma_wait3A_221, %dma_wait3A_222] : memref<2x256x128xf32, #tpu.memory_space<vmem>> -> memref<1x256x128xf32, #tpu.memory_space<vmem>>
        %dma_wait3A_224 = tpu.memref_squeeze %dma_wait3A_223 : memref<1x256x128xf32, #tpu.memory_space<vmem>> -> memref<256x128xf32, #tpu.memory_space<vmem>>
        tpu.wait_dma2 semaphore(%arg10 : memref<!tpu.dma_semaphore, #tpu.memory_space<semaphore_mem>>) src(%dma_wait3A_224 : memref<256x128xf32, #tpu.memory_space<vmem>>) dst(%dma_wait3A_220 : memref<256x128xf32, #tpu.memory_space<hbm>>)
        %add3A_225 = arith.constant 2 : i32
        %add3A_226 = arith.addi %mul3A_84, %add3A_225 : i32
        %add3A_227 = arith.constant 0 : i32
        %add3A_228 = arith.addi %add3A_226, %add3A_227 : i32
        %mul3A_229 = arith.constant 2 : i32
        %mul3A_230 = arith.muli %add3A_228, %mul3A_229 : i32
        %add3A_231 = arith.constant 0 : i32
        %add3A_232 = arith.addi %mul3A_230, %add3A_231 : i32
        %dma_start3A_233 = arith.constant 0 : i32
        %dma_start3A_234 = arith.constant 0 : i32
        %dma_start3A_235 = arith.constant 0 : i32
        %dma_start3A_236 = tpu.memref_slice %arg6[%dma_start3A_233, %dma_start3A_234, %dma_start3A_235] : memref<2x256x128xf32, #tpu.memory_space<vmem>> -> memref<1x256x128xf32, #tpu.memory_space<vmem>>
        %dma_start3A_237 = tpu.memref_squeeze %dma_start3A_236 : memref<1x256x128xf32, #tpu.memory_space<vmem>> -> memref<256x128xf32, #tpu.memory_space<vmem>>
        %dma_start3A_238 = arith.constant 0 : i32
        %dma_start3A_239 = arith.constant 0 : i32
        %dma_start3A_240 = tpu.memref_slice %dma_start3A_237[%dma_start3A_238, %dma_start3A_239] : memref<256x128xf32, #tpu.memory_space<vmem>> -> memref<128x128xf32, #tpu.memory_space<vmem>>
        %dma_start3A_241 = arith.constant 0 : i32
        %dma_start3A_242 = tpu.memref_slice %arg5[%add3A_232, %dma_start3A_241] : memref<200x128xi32, #tpu.memory_space<vmem>> -> memref<1x128xi32, #tpu.memory_space<vmem>>
        %dma_start3A_243 = tpu.memref_squeeze %dma_start3A_242 : memref<1x128xi32, #tpu.memory_space<vmem>> -> memref<128xi32, #tpu.memory_space<vmem>>
        %dma_start3A_244 = arith.constant 0 : i32
        %dma_start3A_245 = arith.constant 0 : i32
        %dma_start3A_246 = tpu.memref_slice %arg3[%dma_start3A_244, %dma_start3A_245] : memref<100000x128xf32, #tpu.memory_space<hbm>> -> memref<100000x128xf32, #tpu.memory_space<hbm>>
        tpu.enqueue_indirect_dma source(%dma_start3A_246 : memref<100000x128xf32, #tpu.memory_space<hbm>>) target(%dma_start3A_240 : memref<128x128xf32, #tpu.memory_space<vmem>>) offsets(%dma_start3A_243 : memref<128xi32, #tpu.memory_space<vmem>>) semaphore(%arg8 : memref<!tpu.dma_semaphore, #tpu.memory_space<semaphore_mem>>)
        %add3A_247 = arith.constant 2 : i32
        %add3A_248 = arith.addi %mul3A_84, %add3A_247 : i32
        %add3A_249 = arith.constant 0 : i32
        %add3A_250 = arith.addi %add3A_248, %add3A_249 : i32
        %mul3A_251 = arith.constant 2 : i32
        %mul3A_252 = arith.muli %add3A_250, %mul3A_251 : i32
        %add3A_253 = arith.constant 1 : i32
        %add3A_254 = arith.addi %mul3A_252, %add3A_253 : i32
        %dma_start3A_255 = arith.constant 0 : i32
        %dma_start3A_256 = arith.constant 0 : i32
        %dma_start3A_257 = arith.constant 0 : i32
        %dma_start3A_258 = tpu.memref_slice %arg6[%dma_start3A_255, %dma_start3A_256, %dma_start3A_257] : memref<2x256x128xf32, #tpu.memory_space<vmem>> -> memref<1x256x128xf32, #tpu.memory_space<vmem>>
        %dma_start3A_259 = tpu.memref_squeeze %dma_start3A_258 : memref<1x256x128xf32, #tpu.memory_space<vmem>> -> memref<256x128xf32, #tpu.memory_space<vmem>>
        %dma_start3A_260 = arith.constant 128 : i32
        %dma_start3A_261 = arith.constant 0 : i32
        %dma_start3A_262 = tpu.memref_slice %dma_start3A_259[%dma_start3A_260, %dma_start3A_261] : memref<256x128xf32, #tpu.memory_space<vmem>> -> memref<128x128xf32, #tpu.memory_space<vmem>>
        %dma_start3A_263 = arith.constant 0 : i32
        %dma_start3A_264 = tpu.memref_slice %arg5[%add3A_254, %dma_start3A_263] : memref<200x128xi32, #tpu.memory_space<vmem>> -> memref<1x128xi32, #tpu.memory_space<vmem>>
        %dma_start3A_265 = tpu.memref_squeeze %dma_start3A_264 : memref<1x128xi32, #tpu.memory_space<vmem>> -> memref<128xi32, #tpu.memory_space<vmem>>
        %dma_start3A_266 = arith.constant 0 : i32
        %dma_start3A_267 = arith.constant 0 : i32
        %dma_start3A_268 = tpu.memref_slice %arg3[%dma_start3A_266, %dma_start3A_267] : memref<100000x128xf32, #tpu.memory_space<hbm>> -> memref<100000x128xf32, #tpu.memory_space<hbm>>
        tpu.enqueue_indirect_dma source(%dma_start3A_268 : memref<100000x128xf32, #tpu.memory_space<hbm>>) target(%dma_start3A_262 : memref<128x128xf32, #tpu.memory_space<vmem>>) offsets(%dma_start3A_265 : memref<128xi32, #tpu.memory_space<vmem>>) semaphore(%arg8 : memref<!tpu.dma_semaphore, #tpu.memory_space<semaphore_mem>>)
        %add3A_269 = arith.constant 1 : i32
        %add3A_270 = arith.addi %mul3A_84, %add3A_269 : i32
        %mul3A_271 = arith.constant 256 : i32
        %mul3A_272 = arith.muli %add3A_270, %mul3A_271 : i32
        %add3A_273 = arith.addi %mul3A_2, %mul3A_272 : i32
        %dma_wait3A_274 = arith.constant 1 : i32
        %dma_wait3A_275 = arith.constant 0 : i32
        %dma_wait3A_276 = arith.constant 0 : i32
        %dma_wait3A_277 = tpu.memref_slice %arg6[%dma_wait3A_274, %dma_wait3A_275, %dma_wait3A_276] : memref<2x256x128xf32, #tpu.memory_space<vmem>> -> memref<1x256x128xf32, #tpu.memory_space<vmem>>
        %dma_wait3A_278 = tpu.memref_squeeze %dma_wait3A_277 : memref<1x256x128xf32, #tpu.memory_space<vmem>> -> memref<256x128xf32, #tpu.memory_space<vmem>>
        %dma_wait3A_279 = arith.constant 0 : i32
        %dma_wait3A_280 = tpu.memref_slice %arg4[%add3A_273, %dma_wait3A_279] : memref<819200x128xf32, #tpu.memory_space<hbm>> -> memref<256x128xf32, #tpu.memory_space<hbm>>
        %dma_wait3A_281 = arith.constant 0 : i32
        %dma_wait3A_282 = tpu.memref_slice %arg4[%add3A_273, %dma_wait3A_281] : memref<819200x128xf32, #tpu.memory_space<hbm>> -> memref<256x128xf32, #tpu.memory_space<hbm>>
        %dma_wait3A_283 = arith.constant 0 : i32
        %dma_wait3A_284 = arith.constant 0 : i32
        %dma_wait3A_285 = tpu.memref_slice %arg6[%dma_wait3A_274, %dma_wait3A_283, %dma_wait3A_284] : memref<2x256x128xf32, #tpu.memory_space<vmem>> -> memref<1x256x128xf32, #tpu.memory_space<vmem>>
        %dma_wait3A_286 = tpu.memref_squeeze %dma_wait3A_285 : memref<1x256x128xf32, #tpu.memory_space<vmem>> -> memref<256x128xf32, #tpu.memory_space<vmem>>
        tpu.wait_dma2 semaphore(%arg11 : memref<!tpu.dma_semaphore, #tpu.memory_space<semaphore_mem>>) src(%dma_wait3A_286 : memref<256x128xf32, #tpu.memory_space<vmem>>) dst(%dma_wait3A_282 : memref<256x128xf32, #tpu.memory_space<hbm>>)
        %add3A_287 = arith.constant 2 : i32
        %add3A_288 = arith.addi %mul3A_84, %add3A_287 : i32
        %add3A_289 = arith.constant 1 : i32
        %add3A_290 = arith.addi %add3A_288, %add3A_289 : i32
        %mul3A_291 = arith.constant 2 : i32
        %mul3A_292 = arith.muli %add3A_290, %mul3A_291 : i32
        %add3A_293 = arith.constant 0 : i32
        %add3A_294 = arith.addi %mul3A_292, %add3A_293 : i32
        %dma_start3A_295 = arith.constant 1 : i32
        %dma_start3A_296 = arith.constant 0 : i32
        %dma_start3A_297 = arith.constant 0 : i32
        %dma_start3A_298 = tpu.memref_slice %arg6[%dma_start3A_295, %dma_start3A_296, %dma_start3A_297] : memref<2x256x128xf32, #tpu.memory_space<vmem>> -> memref<1x256x128xf32, #tpu.memory_space<vmem>>
        %dma_start3A_299 = tpu.memref_squeeze %dma_start3A_298 : memref<1x256x128xf32, #tpu.memory_space<vmem>> -> memref<256x128xf32, #tpu.memory_space<vmem>>
        %dma_start3A_300 = arith.constant 0 : i32
        %dma_start3A_301 = arith.constant 0 : i32
        %dma_start3A_302 = tpu.memref_slice %dma_start3A_299[%dma_start3A_300, %dma_start3A_301] : memref<256x128xf32, #tpu.memory_space<vmem>> -> memref<128x128xf32, #tpu.memory_space<vmem>>
        %dma_start3A_303 = arith.constant 0 : i32
        %dma_start3A_304 = tpu.memref_slice %arg5[%add3A_294, %dma_start3A_303] : memref<200x128xi32, #tpu.memory_space<vmem>> -> memref<1x128xi32, #tpu.memory_space<vmem>>
        %dma_start3A_305 = tpu.memref_squeeze %dma_start3A_304 : memref<1x128xi32, #tpu.memory_space<vmem>> -> memref<128xi32, #tpu.memory_space<vmem>>
        %dma_start3A_306 = arith.constant 0 : i32
        %dma_start3A_307 = arith.constant 0 : i32
        %dma_start3A_308 = tpu.memref_slice %arg3[%dma_start3A_306, %dma_start3A_307] : memref<100000x128xf32, #tpu.memory_space<hbm>> -> memref<100000x128xf32, #tpu.memory_space<hbm>>
        tpu.enqueue_indirect_dma source(%dma_start3A_308 : memref<100000x128xf32, #tpu.memory_space<hbm>>) target(%dma_start3A_302 : memref<128x128xf32, #tpu.memory_space<vmem>>) offsets(%dma_start3A_305 : memref<128xi32, #tpu.memory_space<vmem>>) semaphore(%arg9 : memref<!tpu.dma_semaphore, #tpu.memory_space<semaphore_mem>>)
        %add3A_309 = arith.constant 2 : i32
        %add3A_310 = arith.addi %mul3A_84, %add3A_309 : i32
        %add3A_311 = arith.constant 1 : i32
        %add3A_312 = arith.addi %add3A_310, %add3A_311 : i32
        %mul3A_313 = arith.constant 2 : i32
        %mul3A_314 = arith.muli %add3A_312, %mul3A_313 : i32
        %add3A_315 = arith.constant 1 : i32
        %add3A_316 = arith.addi %mul3A_314, %add3A_315 : i32
        %dma_start3A_317 = arith.constant 1 : i32
        %dma_start3A_318 = arith.constant 0 : i32
        %dma_start3A_319 = arith.constant 0 : i32
        %dma_start3A_320 = tpu.memref_slice %arg6[%dma_start3A_317, %dma_start3A_318, %dma_start3A_319] : memref<2x256x128xf32, #tpu.memory_space<vmem>> -> memref<1x256x128xf32, #tpu.memory_space<vmem>>
        %dma_start3A_321 = tpu.memref_squeeze %dma_start3A_320 : memref<1x256x128xf32, #tpu.memory_space<vmem>> -> memref<256x128xf32, #tpu.memory_space<vmem>>
        %dma_start3A_322 = arith.constant 128 : i32
        %dma_start3A_323 = arith.constant 0 : i32
        %dma_start3A_324 = tpu.memref_slice %dma_start3A_321[%dma_start3A_322, %dma_start3A_323] : memref<256x128xf32, #tpu.memory_space<vmem>> -> memref<128x128xf32, #tpu.memory_space<vmem>>
        %dma_start3A_325 = arith.constant 0 : i32
        %dma_start3A_326 = tpu.memref_slice %arg5[%add3A_316, %dma_start3A_325] : memref<200x128xi32, #tpu.memory_space<vmem>> -> memref<1x128xi32, #tpu.memory_space<vmem>>
        %dma_start3A_327 = tpu.memref_squeeze %dma_start3A_326 : memref<1x128xi32, #tpu.memory_space<vmem>> -> memref<128xi32, #tpu.memory_space<vmem>>
        %dma_start3A_328 = arith.constant 0 : i32
        %dma_start3A_329 = arith.constant 0 : i32
        %dma_start3A_330 = tpu.memref_slice %arg3[%dma_start3A_328, %dma_start3A_329] : memref<100000x128xf32, #tpu.memory_space<hbm>> -> memref<100000x128xf32, #tpu.memory_space<hbm>>
        tpu.enqueue_indirect_dma source(%dma_start3A_330 : memref<100000x128xf32, #tpu.memory_space<hbm>>) target(%dma_start3A_324 : memref<128x128xf32, #tpu.memory_space<vmem>>) offsets(%dma_start3A_327 : memref<128xi32, #tpu.memory_space<vmem>>) semaphore(%arg9 : memref<!tpu.dma_semaphore, #tpu.memory_space<semaphore_mem>>)
      } else {
      }
      %eq3A = arith.constant 49 : i32
      %eq3A_203 = arith.cmpi eq, %scan3A_82, %eq3A : i32
      %convert_element_type3A_204 = arith.extui %eq3A_203 : i1 to i32
      %cond3A_205 = arith.constant 0 : i32
      %cond3A_206 = arith.cmpi ne, %convert_element_type3A_204, %cond3A_205 : i32
      scf.if %cond3A_206 {
        %add3A_207 = arith.constant 0 : i32
        %add3A_208 = arith.addi %mul3A_84, %add3A_207 : i32
        %mul3A_209 = arith.constant 256 : i32
        %mul3A_210 = arith.muli %add3A_208, %mul3A_209 : i32
        %add3A_211 = arith.addi %mul3A_2, %mul3A_210 : i32
        %dma_wait3A_212 = arith.constant 0 : i32
        %dma_wait3A_213 = arith.constant 0 : i32
        %dma_wait3A_214 = arith.constant 0 : i32
        %dma_wait3A_215 = tpu.memref_slice %arg6[%dma_wait3A_212, %dma_wait3A_213, %dma_wait3A_214] : memref<2x256x128xf32, #tpu.memory_space<vmem>> -> memref<1x256x128xf32, #tpu.memory_space<vmem>>
        %dma_wait3A_216 = tpu.memref_squeeze %dma_wait3A_215 : memref<1x256x128xf32, #tpu.memory_space<vmem>> -> memref<256x128xf32, #tpu.memory_space<vmem>>
        %dma_wait3A_217 = arith.constant 0 : i32
        %dma_wait3A_218 = tpu.memref_slice %arg4[%add3A_211, %dma_wait3A_217] : memref<819200x128xf32, #tpu.memory_space<hbm>> -> memref<256x128xf32, #tpu.memory_space<hbm>>
        %dma_wait3A_219 = arith.constant 0 : i32
        %dma_wait3A_220 = tpu.memref_slice %arg4[%add3A_211, %dma_wait3A_219] : memref<819200x128xf32, #tpu.memory_space<hbm>> -> memref<256x128xf32, #tpu.memory_space<hbm>>
        %dma_wait3A_221 = arith.constant 0 : i32
        %dma_wait3A_222 = arith.constant 0 : i32
        %dma_wait3A_223 = tpu.memref_slice %arg6[%dma_wait3A_212, %dma_wait3A_221, %dma_wait3A_222] : memref<2x256x128xf32, #tpu.memory_space<vmem>> -> memref<1x256x128xf32, #tpu.memory_space<vmem>>
        %dma_wait3A_224 = tpu.memref_squeeze %dma_wait3A_223 : memref<1x256x128xf32, #tpu.memory_space<vmem>> -> memref<256x128xf32, #tpu.memory_space<vmem>>
        tpu.wait_dma2 semaphore(%arg10 : memref<!tpu.dma_semaphore, #tpu.memory_space<semaphore_mem>>) src(%dma_wait3A_224 : memref<256x128xf32, #tpu.memory_space<vmem>>) dst(%dma_wait3A_220 : memref<256x128xf32, #tpu.memory_space<hbm>>)
        %add3A_225 = arith.constant 1 : i32
        %add3A_226 = arith.addi %mul3A_84, %add3A_225 : i32
        %mul3A_227 = arith.constant 256 : i32
        %mul3A_228 = arith.muli %add3A_226, %mul3A_227 : i32
        %add3A_229 = arith.addi %mul3A_2, %mul3A_228 : i32
        %dma_wait3A_230 = arith.constant 1 : i32
        %dma_wait3A_231 = arith.constant 0 : i32
        %dma_wait3A_232 = arith.constant 0 : i32
        %dma_wait3A_233 = tpu.memref_slice %arg6[%dma_wait3A_230, %dma_wait3A_231, %dma_wait3A_232] : memref<2x256x128xf32, #tpu.memory_space<vmem>> -> memref<1x256x128xf32, #tpu.memory_space<vmem>>
        %dma_wait3A_234 = tpu.memref_squeeze %dma_wait3A_233 : memref<1x256x128xf32, #tpu.memory_space<vmem>> -> memref<256x128xf32, #tpu.memory_space<vmem>>
        %dma_wait3A_235 = arith.constant 0 : i32
        %dma_wait3A_236 = tpu.memref_slice %arg4[%add3A_229, %dma_wait3A_235] : memref<819200x128xf32, #tpu.memory_space<hbm>> -> memref<256x128xf32, #tpu.memory_space<hbm>>
        %dma_wait3A_237 = arith.constant 0 : i32
        %dma_wait3A_238 = tpu.memref_slice %arg4[%add3A_229, %dma_wait3A_237] : memref<819200x128xf32, #tpu.memory_space<hbm>> -> memref<256x128xf32, #tpu.memory_space<hbm>>
        %dma_wait3A_239 = arith.constant 0 : i32
        %dma_wait3A_240 = arith.constant 0 : i32
        %dma_wait3A_241 = tpu.memref_slice %arg6[%dma_wait3A_230, %dma_wait3A_239, %dma_wait3A_240] : memref<2x256x128xf32, #tpu.memory_space<vmem>> -> memref<1x256x128xf32, #tpu.memory_space<vmem>>
        %dma_wait3A_242 = tpu.memref_squeeze %dma_wait3A_241 : memref<1x256x128xf32, #tpu.memory_space<vmem>> -> memref<256x128xf32, #tpu.memory_space<vmem>>
        tpu.wait_dma2 semaphore(%arg11 : memref<!tpu.dma_semaphore, #tpu.memory_space<semaphore_mem>>) src(%dma_wait3A_242 : memref<256x128xf32, #tpu.memory_space<vmem>>) dst(%dma_wait3A_238 : memref<256x128xf32, #tpu.memory_space<hbm>>)
      } else {
      }
    }
    %scan3A_81 = arith.constant 50 : i32
    return
  }
}

</mosaic_0001>

<sc_bundles>
// kernel: kernel.3.cloned.1.call-start
scs
__scs_entry_jumppad:
0x0: {  	(pc) =	sbr.rel $0x88, $3  }
0x1: {  	(tag) =	ssettag $0x0;
	lr =	simm.s32 $0x1  }
0x2: {  	[smem:$0x3F9F] =	sst lr;
	_ =	strace $0xD0000000  }
0x3: {  	_ = 	snop  }
0x4: {  	_ = 	snop  }
0x5: {  	_ = 	snop  }
0x6: {  	_ = 	snop  }
0x7: {  	_ = 	snop  }
__scs_overlays_trampoline_lowered:
0x8: {  	[smem:$0x3FAE] =	sst s0  }
0x9: {  	[smem:$0x3FAF] =	sst s1  }
0xa: {  	[smem:$0x3FB0] =	sst s2  }
0xb: {  	[smem:$0x3FB1] =	sst s3  }
0xc: {  	[smem:$0x3FB2] =	sst s4  }
0xd: {  	[smem:$0x3FB3] =	sst s5  }
0xe: {  	[smem:$0x3FB4] =	sst s6  }
0xf: {  	[smem:$0x3FB5] =	sst s7  }
0x10: {  	[smem:$0x3FB6] =	sst s8  }
0x11: {  	[smem:$0x3FB7] =	sst s9;
	s0 =	simm.s32 @!p0 $0x0  }
0x12: {  	s1 =	sld [smem:$0x3F9D];
	s0 =	simm.s32 @p0 $0x1  }
0x13: {  	[smem:$0x3FB8] =	sst s0;
	s0 =	simm.s32 @!p1 $0x0  }
0x14: {  	s2 =	sld [smem:$0x3F9C];
	s0 =	simm.s32 @p1 $0x1  }
0x15: {  	[smem:$0x3FB9] =	sst s0;
	s0 =	simm.s32 @!p2 $0x0  }
0x16: {  	s3 =	sld [smem:$0x3FDB];
	s0 =	simm.s32 @p2 $0x1  }
0x17: {  	s4 =	simm.s32 $0x1BF5;
	[smem:$0x3FBB] =	sst s0  }
0x18: {  	s0 =	sld [smem:$0x3F9E];
	_ =	swait.ge [sflag:s4], $0x0  }
0x19: {  	s7 =	sld [smem:$0x3F9F]  }
0x1a: {  	s8 =	sadd.s32 $0xFFFFE003, lr  }
0x1b: {  	s9 =	sadd.s32 $0xFFFFFEF7, lr;
	s5 =	simm.s32 $0xFFFFFFFF;
	p2 =	slt.u32 s8, $0xFFFFF086  }
0x1c: {  	p1 =	slt.u32 s9, $0xF7A;
	s5 =	simm.s32 @!p2 $0x0  }
0x1d: {  	s5 =	simm.s32 @p1 $0x1;
	p0 =	seq.s32 s7, s2  }
0x1e: {  	s7 =	smul.u32 @!p0 $0xF7A, s2;
	p2 =	seq.s32 @!p0 s5, $0x0  }
0x1f: {  	s9 =	smul.u32 $0xF7A, s1;
	s8 =	simm.s32 @!p0 $0x1BF5;
	p2 =	por !p2, p0  }
0x20: {  	[sflag:s8] =	ssyncset.s32 @!p0 $0xFFFFF086;
	s6 =	sadd.s32 @!p0 s3, s7;
	s7 =	simm.s32 @!p0 $0x108  }
0x21: {  	s3 =	sadd.s32 s3, s9;
	s6 =	sadd.s32 @!p0 $0x88, s6;
	s7 =	simm.s32 @p2 $0x1082  }
0x22: {  	[simem:s7], [sflag:s8] =	dma.local @!p0 [hbm:s6], $0xF7A  }
0x23: {  	s9 =	sor.u32 $0xD0000000, s2;
	s6 =	simm.s32 $0x108;
	_ =	swait.ge @!p0 [sflag:s8], $0x0  }
0x24: {  	s3 =	sadd.s32 $0x88, s3;
	s6 =	simm.s32 @!p1 $0x1082;
	[sflag:s4] =	ssyncset.s32 $0xFFFFF086  }
0x25: {  	[simem:s6], [sflag:s4] =	dma.local [hbm:s3], $0xF7A  }
0x26: {  	[smem:$0x3F9F] =	sst s1;
	(tag) =	ssettag s2;
	_ =	strace s9  }
0x27: {  	s1 =	sld [smem:$0x3FAF]  }
0x28: {  	s2 =	sld [smem:$0x3FB0]  }
0x29: {  	s4 =	sld [smem:$0x3FB2]  }
0x2a: {  	p0 =	seq.s32 s5, $0x0;
	s5 =	sld [smem:$0x3FB3]  }
0x2b: {  	s6 =	sld [smem:$0x3FB4]  }
0x2c: {  	s7 =	sld [smem:$0x3FB5]  }
0x2d: {  	s3 =	simm.s32 $0x108;
	s8 =	sld [smem:$0x3FB6]  }
0x2e: {  	s3 =	simm.s32 @!p0 $0x1082;
	s9 =	sld [smem:$0x3FB7]  }
0x2f: {  	lr =	sadd.s32 s0, s3;
	s0 =	sld [smem:$0x3FAE]  }
0x30: {  	s3 =	sld [smem:$0x3FB1]  }
0x31: {  	[smem:$0x3FBA] =	sst s10  }
0x32: {  	s10 =	sld [smem:$0x3FB8];
	_ =	sdelay $0x3  }
0x33: {  	p0 =	seq.s32 s10, $0x1;
	s10 =	sld [smem:$0x3FBA];
	_ =	sdelay $0x3  }
0x34: {  	[smem:$0x3FBA] =	sst s10  }
0x35: {  	s10 =	sld [smem:$0x3FB9];
	_ =	sdelay $0x3  }
0x36: {  	p1 =	seq.s32 s10, $0x1;
	s10 =	sld [smem:$0x3FBA];
	_ =	sdelay $0x3  }
0x37: {  	[smem:$0x3FBA] =	sst s10  }
0x38: {  	s10 =	sld [smem:$0x3FBB]  }
0x39: {  	_ = 	snop;
	(pc) =	sbr.ind lr, $3  }
0x3a: {  	_ = 	snop  }
0x3b: {  	_ = 	snop  }
0x3c: {  	p2 =	seq.s32 s10, $0x1;
	s10 =	sld [smem:$0x3FBA]  }
0x3d: {  	_ =	shalt  }
0x3e: {  	_ =	shalt  }
0x3f: {  	_ =	shalt  }
0x40: {  	_ =	shalt  }
0x41: {  	_ =	shalt  }
0x42: {  	_ =	shalt  }
0x43: {  	_ =	shalt  }
0x44: {  	_ =	shalt  }
0x45: {  	_ =	shalt  }
0x46: {  	_ =	shalt  }
0x47: {  	_ =	shalt  }
0x48: {  	_ =	shalt  }
0x49: {  	_ =	shalt  }
0x4a: {  	_ =	shalt  }
0x4b: {  	_ =	shalt  }
0x4c: {  	_ =	shalt  }
0x4d: {  	_ =	shalt  }
0x4e: {  	_ =	shalt  }
0x4f: {  	_ =	shalt  }
0x50: {  	_ =	shalt  }
0x51: {  	_ =	shalt  }
0x52: {  	_ =	shalt  }
0x53: {  	_ =	shalt  }
0x54: {  	_ =	shalt  }
0x55: {  	_ =	shalt  }
0x56: {  	_ =	shalt  }
0x57: {  	_ =	shalt  }
0x58: {  	_ =	shalt  }
0x59: {  	_ =	shalt  }
0x5a: {  	_ =	shalt  }
0x5b: {  	_ =	shalt  }
0x5c: {  	_ =	shalt  }
0x5d: {  	_ =	shalt  }
0x5e: {  	_ =	shalt  }
0x5f: {  	_ =	shalt  }
0x60: {  	_ =	shalt  }
0x61: {  	_ =	shalt  }
0x62: {  	_ =	shalt  }
0x63: {  	_ =	shalt  }
0x64: {  	_ =	shalt  }
0x65: {  	_ =	shalt  }
0x66: {  	_ =	shalt  }
0x67: {  	_ =	shalt  }
0x68: {  	_ =	shalt  }
0x69: {  	_ =	shalt  }
0x6a: {  	_ =	shalt  }
0x6b: {  	_ =	shalt  }
0x6c: {  	_ =	shalt  }
0x6d: {  	_ =	shalt  }
0x6e: {  	_ =	shalt  }
0x6f: {  	_ =	shalt  }
0x70: {  	_ =	shalt  }
0x71: {  	_ =	shalt  }
0x72: {  	_ =	shalt  }
0x73: {  	_ =	shalt  }
0x74: {  	_ =	shalt  }
0x75: {  	_ =	shalt  }
0x76: {  	_ =	shalt  }
0x77: {  	_ =	shalt  }
0x78: {  	_ =	shalt  }
0x79: {  	_ =	shalt  }
0x7a: {  	_ =	shalt  }
0x7b: {  	_ =	shalt  }
0x7c: {  	_ =	shalt  }
0x7d: {  	_ =	shalt  }
0x7e: {  	_ =	shalt  }
0x7f: {  	_ =	shalt  }
0x80: {  	_ =	shalt  }
0x81: {  	_ =	shalt  }
0x82: {  	_ =	shalt  }
0x83: {  	_ =	shalt  }
0x84: {  	_ =	shalt  }
0x85: {  	_ =	shalt  }
0x86: {  	_ =	shalt  }
0x87: {  	_ =	shalt  }
.Lfunc_end0:
.L_simem_size_0:
called_computation_lowered:
.L_overlay_start_0:
0x88: {  	s2 =	sld [smem:$0x3FD9]  }
0x89: {  	s3 =	sld [smem:$0x3FFE];
	_ =	sdelay $0x1  }
0x8a: {  	s1 =	srdreg.scid  }
0x8b: {  	s0 =	sand.u32 $0x1, s1  }
0x8c: {  	s17 =	sshll.u32 s0, $0xA;
	s2 =	sadd.s32 s3, s2  }
0x8d: {  	s2 =	sadd.s32 s2, s17  }
0x8e: {  	[smem:$0x3FC6] =	sst s2  }
0x8f: {  	_ = 	snop  }
0x90: {  	s2 =	sld [smem:$0x3FC8]  }
0x91: {  	s18 =	sld [smem:$0x3FD0];
	(tm) =	ssettm $0x1  }
0x92: {  	s4 =	sld [smem:$0x3FFB];
	_ =	sdelay $0x3  }
0x93: {  	_ =	strace s4  }
0x94: {  	s4 =	sld [smem:$0x3FFC];
	_ =	sdelay $0x3  }
0x95: {  	_ =	strace s4  }
0x96: {  	s4 =	sld [smem:$0x3FFD];
	_ =	sdelay $0x3  }
0x97: {  	_ =	strace s4  }
0x98: {  	_ =	strace $0x8FFFFFFF  }
0x99: {  	s19 =	sld [smem:$0x3FDB];
	_ =	sdelay $0x1  }
0x9a: {  	s5 =	simm.s32 $_scs_section_size  }
0x9b: {  	s6 =	simm.s32 $_size__tile_overlayer_lowered;
	s7 =	simm.s32 $_tile_overlayer_lowered  }
0x9c: {  	s22 =	simm.s32 $0x1BFF;
	s21 =	sshll.u32 s7, $0x1;
	s4 =	sadd.s32 s5, s19  }
0x9d: {  	s8 =	simm.s32 $0x0;
	s20 =	sshll.u32 s6, $0x1;
	s6 =	sadd.s32 s21, s4  }
0x9e: {  	[timem:s8], [sflag:s22] =	dma.local [hbm:s6], s20  }
0x9f: {  	_ =	swait.ge [sflag:s22], s20  }
0xa0: {  	s5 =	ssub.s32 $0x0, s20;
	[sflag:s22] =	ssyncset.done $0x0  }
0xa1: {  	[sflag:s22] =	ssyncadd.s32 s5;
	_ =	sdelay $0x1  }
0xa2: {  	s23 =	simm.s32 $0x1B8B  }
0xa3: {  	_ =	swait.ge [sflag:s23], $0x1  }
0xa4: {  	[sflag:s23] =	ssyncset.done $0x0  }
0xa5: {  	s25 =	simm.s32 $0x1B8E;
	s24 =	sld [smem:$0x3FFE];
	[sflag:s23] =	ssyncadd.s32 $0xFFFFFFFF  }
0xa6: {  	s26 =	simm.s32 $execute0_lowered;
	[smem:$0x3FD2] =	sst s25  }
0xa7: {  	s6 =	sshll.u32 s26, $0x1;
	_ =	strace $0x80000046;
	[dreg:$0x1] =	wrdreg $0xFFFFFFFF  }
0xa8: {  	s28 =	simm.s32 $_size_execute0_lowered;
	s4 =	sadd.s32 s4, s6;
	[dreg:$0x0] =	wrdreg $0x0  }
0xa9: {  	s6 =	sshll.u32 s28, $0x1;
	[dreg:$0x2] =	wrdreg s4  }
0xaa: {  	[dreg:$0x3] =	wrdreg s6  }
0xab: {  	[dreg:$0x4] =	wrdreg $0xC0  }
0xac: {  	_ =	task [dreg:s8], $0x5FFFF  }
0xad: {  	[dreg:$0x1] =	wrdreg $0xFFFFFFFF  }
0xae: {  	[dreg:$0x0] =	wrdreg $0x60  }
0xaf: {  	[dreg:$0x2] =	wrdreg s24  }
0xb0: {  	[dreg:$0x3] =	wrdreg s2  }
0xb1: {  	[dreg:$0x4] =	wrdreg s18  }
0xb2: {  	[dreg:$0x5] =	wrdreg $0x9  }
0xb3: {  	_ =	task.clear_ibuf [dreg:s8], $0x6FFFF;
	_ =	strace $0x90000046  }
0xb4: {  	s29 =	simm.s32 $0x9;
	_ =	strace $0x80000048  }
0xb5: {  	_ =	swait.ge [sflag:s29], $0x1  }
0xb6: {  	[sflag:s29] =	ssyncadd.s32 $0xFFFFFFFF  }
0xb7: {  	_ =	strace $0x90000048  }
0xb8: {  	_ =	sfence  }
0xb9: {  	s30 =	sld [smem:$0x0];
	_ =	sdelay $0x2  }
0xba: {  	s31 =	sshll.u32 s1, $0xD;
	s1 =	sshrl.u32 s1, $0x2  }
0xbb: {  	s3 =	sand.u32 $0x4000, s31;
	s1 =	sadd.s32 s1, s30  }
0xbc: {  	s0 =	sor.u32 s3, s0;
	s1 =	sshll.u32 s1, $0x11  }
0xbd: {  	s0 =	sor.u32 s1, s0  }
0xbe: {  	s0 =	sadd.s32 $0x8F2B, s0  }
0xbf: {  	[sflag:s0] =	ssyncadd.remote.s32 $0x1  }
0xc0: {  	_ =	sfence.sel $0xFFFF  }
0xc1: {  	[dreg:$0x0] =	wrdreg $0xFFFFFFFF;
	(pc) =	sbr.abs _section_cstart, $3  }
0xc2: {  	[dreg:$0x1] =	wrdreg $0xFFFFFFFF  }
0xc3: {  	_ =	task.clear_ibuf [dreg:s8], $0x2FFFF;
	_ =	strace $0x9FFFFFFF  }
0xc4: {  	(tm) =	ssettm $0x7FFFFFFF  }
0xc5: {  	_ =	shalt  }
tec
execute0_lowered:
.L_overlay_start_1:
0x0: {  	(tag) =	ssettag $0x1  }
0x1: {  	s4 =	rddreg [dreg:$0x0];
	s1 =	srdreg.scid  }
0x2: {  	s0 =	stileid.u32;
	s2 =	rddreg [dreg:$0x1]  }
0x3: {  	s9 =	rddreg [dreg:$0x2];
	s3 =	simm.s32 $0x0;
	s14 =	simm.s32 $0x100  }
0x4: {  	s15 =	simm.s32 $0xE400;
	s16 =	simm.s32 $0x180;
	s17 =	simm.s32 $0x12400  }
0x5: {  	s18 =	simm.s32 $0x2;
	s19 =	simm.s32 $0x3;
	s12 =	smul.u32 $0xC8000, s0  }
0x6: {  	s20 =	simm.s32 $0x4;
	s7 =	sand.u32 $0x1, s1;
	s25 =	smul.u32 $0x640000, s0  }
0x7: {  	s21 =	simm.s32 $0x5;
	s22 =	sshll.u32 s0, $0x1;
	s26 =	smul.u32 $0x320000, s7  }
0x8: {  	[smem:$0x7FF] =	sst s3;
	s5 =	sor.u32 s7, s22;
	s13 =	smul.u32 $0x64000, s7  }
0x9: {  	s1 =	rddreg [dreg:$0x3];
	_ =	strace $0x80000047;
	s6 =	smul.u32 $0xC80, s5  }
0xa: {  	s10 =	ssub.s32 $0x2, s7;
	s22 =	simm.s32 $0x0;
	s8 =	smul.u32 $0x320000, s5  }
0xb: {  	s11 =	smul.u32 $0x64000, s5;
	s23 =	sshrl.u32 s10, $0x1;
	s29 =	sadd.s32 s12, s9  }
0xc: {  	s12 =	simm.s32 $0x6400;
	s5 =	ssub.s32 s10, s23;
	s30 =	sadd.s32 s13, s29  }
0xd: {  	s10 =	simm.s32 $0x1;
	s13 =	simm.s32 $0xA400;
	s4 =	sadd.s32 s6, s4  }
0xe: {  	s24 =	sshrl.u32 s8, $0x3;
	s5 =	smax.u32 s5, $0x1;
	s28 =	sadd.s32 s11, s9  }
0xf: {  	s8 =	sadd.s32 s26, s25;
	s11 =	simm.s32 $0x80;
	s4 =	sadd.s32 $0x400, s4  }
0x10: {  	s6 =	sadd.s32 s9, s24;
	s7 =	sadd.s32 $0x63000, s28;
	s31 =	sshrl.u32 s8, $0x3  }
0x11: {  	s8 =	sadd.s32 $0x1000, s30;
	s6 =	sadd.s32 $0x62000, s6;
	s9 =	sadd.s32 s31, s9  }
.LBB2_1:
0x12: {  	[tilespmem:s3], [sflag:$0x1] =	stream.linear.gather [hbm4b:s4+s3], $0x6400, $0x38;
	[tilespmem:$0x16400] =	vst v63  }
0x13: {  	_ =	swait.ge [sflag:s10], $0x6400  }
0x14: {  	[sflag:s10] =	ssyncset.done $0x0  }
0x15: {  	[sflag:s10] =	ssyncadd.s32 $0xFFFF9C00  }
0x16: {  	[tilespmem:s12], [sflag:$0x2] =	stream.indirect.gather [hbm4b:s2+s11], $0x80, s3, s11, $0xb8;
	[tilespmem:$0x16400] =	vst v63  }
0x17: {  	_ = 	snop  }
0x18: {  	[tilespmem:s13], [sflag:$0x2] =	stream.indirect.gather [hbm4b:s2+s11], $0x80, s11, s11, $0xb8;
	[tilespmem:$0x16400] =	vst v63  }
0x19: {  	_ = 	snop  }
0x1a: {  	[tilespmem:s15], [sflag:$0x3] =	stream.indirect.gather [hbm4b:s2+s11], $0x80, s14, s11, $0xb8;
	[tilespmem:$0x16400] =	vst v63  }
0x1b: {  	_ = 	snop  }
0x1c: {  	[tilespmem:s17], [sflag:$0x3] =	stream.indirect.gather [hbm4b:s2+s11], $0x80, s16, s11, $0xb8;
	[tilespmem:$0x16400] =	vst v63  }
0x1d: {  	_ =	swait.ge [sflag:s18], $0x4000  }
0x1e: {  	[sflag:s18] =	ssyncset.done $0x0  }
0x1f: {  	[sflag:s18] =	ssyncadd.s32 $0xFFFFC000  }
0x20: {  	_ =	swait.ge [sflag:s18], $0x4000  }
0x21: {  	[sflag:s18] =	ssyncset.done $0x0  }
0x22: {  	[sflag:s18] =	ssyncadd.s32 $0xFFFFC000  }
0x23: {  	[hbm4b:s9+s3] =	stream.linear.scatter [tilespmem:s12], [sflag:$0x4], $0x8000, $0x38;
	[tilespmem:$0x16400] =	vst v63  }
0x24: {  	_ =	swait.ge [sflag:s19], $0x4000  }
0x25: {  	[sflag:s19] =	ssyncset.done $0x0  }
0x26: {  	[sflag:s19] =	ssyncadd.s32 $0xFFFFC000  }
0x27: {  	_ =	swait.ge [sflag:s19], $0x4000  }
0x28: {  	[sflag:s19] =	ssyncset.done $0x0  }
0x29: {  	[sflag:s19] =	ssyncadd.s32 $0xFFFFC000  }
0x2a: {  	[hbm4b:s8+s3] =	stream.linear.scatter [tilespmem:s15], [sflag:$0x5], $0x8000, $0x38;
	[tilespmem:$0x16400] =	vst v63  }
0x2b: {  	_ =	swait.ge [sflag:s20], $0x8000  }
0x2c: {  	[sflag:s20] =	ssyncset.done $0x0  }
0x2d: {  	s23 =	simm.s32 $0x200;
	[sflag:s20] =	ssyncadd.s32 $0xFFFF8000  }
0x2e: {  	[tilespmem:s12], [sflag:$0x2] =	stream.indirect.gather [hbm4b:s2+s11], $0x80, s23, s11, $0xb8;
	[tilespmem:$0x16400] =	vst v63  }
0x2f: {  	s30 =	simm.s32 $0x280  }
0x30: {  	[tilespmem:s13], [sflag:$0x2] =	stream.indirect.gather [hbm4b:s2+s11], $0x80, s30, s11, $0xb8;
	[tilespmem:$0x16400] =	vst v63  }
0x31: {  	s31 =	simm.s32 $0x300;
	_ =	swait.ge [sflag:s21], $0x8000  }
0x32: {  	s26 =	simm.s32 $0x380;
	s24 =	sadd.s32 $0x2000, s8;
	[sflag:s21] =	ssyncset.done $0x0  }
0x33: {  	s25 =	sadd.s32 $0x2000, s9;
	s23 =	simm.s32 $0x800;
	[sflag:s21] =	ssyncadd.s32 $0xFFFF8000  }
0x34: {  	[tilespmem:s15], [sflag:$0x3] =	stream.indirect.gather [hbm4b:s2+s11], $0x80, s31, s11, $0xb8;
	[tilespmem:$0x16400] =	vst v63  }
.LBB2_2:
0x35: {  	[tilespmem:s17], [sflag:$0x3] =	stream.indirect.gather [hbm4b:s2+s11], $0x80, s26, s11, $0xb8;
	[tilespmem:$0x16400] =	vst v63  }
0x36: {  	s26 =	smov.u32 s23  }
0x37: {  	p0 =	sne.s32 s23, $0x18000;
	s23 =	sadd.s32 $0x800, s23;
	_ =	swait.ge [sflag:s18], $0x4000  }
0x38: {  	[sflag:s18] =	ssyncset.done $0x0  }
0x39: {  	[sflag:s18] =	ssyncadd.s32 $0xFFFFC000  }
0x3a: {  	_ =	swait.ge [sflag:s18], $0x4000  }
0x3b: {  	[sflag:s18] =	ssyncset.done $0x0  }
0x3c: {  	[sflag:s18] =	ssyncadd.s32 $0xFFFFC000  }
0x3d: {  	[hbm4b:s25+s3] =	stream.linear.scatter [tilespmem:s12], [sflag:$0x4], $0x8000, $0x38;
	[tilespmem:$0x16400] =	vst v63  }
0x3e: {  	_ =	swait.ge [sflag:s19], $0x4000  }
0x3f: {  	[sflag:s19] =	ssyncset.done $0x0  }
0x40: {  	[sflag:s19] =	ssyncadd.s32 $0xFFFFC000  }
0x41: {  	_ =	swait.ge [sflag:s19], $0x4000  }
0x42: {  	[sflag:s19] =	ssyncset.done $0x0  }
0x43: {  	[sflag:s19] =	ssyncadd.s32 $0xFFFFC000  }
0x44: {  	[hbm4b:s24+s3] =	stream.linear.scatter [tilespmem:s15], [sflag:$0x5], $0x8000, $0x38;
	[tilespmem:$0x16400] =	vst v63  }
0x45: {  	_ =	swait.ge [sflag:s20], $0x8000  }
0x46: {  	s26 =	sshra.s32 s26, $0x2;
	[sflag:s20] =	ssyncset.done $0x0  }
0x47: {  	s28 =	sadd.s32 $0x200, s26;
	[sflag:s20] =	ssyncadd.s32 $0xFFFF8000  }
0x48: {  	[tilespmem:s12], [sflag:$0x2] =	stream.indirect.gather [hbm4b:s2+s11], $0x80, s28, s11, $0xb8;
	[tilespmem:$0x16400] =	vst v63  }
0x49: {  	s28 =	sadd.s32 $0x280, s26  }
0x4a: {  	[tilespmem:s13], [sflag:$0x2] =	stream.indirect.gather [hbm4b:s2+s11], $0x80, s28, s11, $0xb8;
	[tilespmem:$0x16400] =	vst v63  }
.Ltmp0:
0x4b: {  	_ =	swait.ge [sflag:s21], $0x8000;
	(pc) =	sbr.rel @p0 .LBB2_2-.Ltmp0, $4  }
0x4c: {  	[sflag:s21] =	ssyncset.done $0x0  }
0x4d: {  	s28 =	sadd.s32 $0x300, s26;
	[sflag:s21] =	ssyncadd.s32 $0xFFFF8000  }
0x4e: {  	[tilespmem:s15], [sflag:$0x3] =	stream.indirect.gather [hbm4b:s2+s11], $0x80, s28, s11, $0xb8;
	[tilespmem:$0x16400] =	vst v63  }
0x4f: {  	s25 =	sadd.s32 $0x2000, s25;
	s24 =	sadd.s32 $0x2000, s24;
	s26 =	sadd.s32 $0x380, s26  }
0x50: {  	[tilespmem:s17], [sflag:$0x3] =	stream.indirect.gather [hbm4b:s2+s11], $0x80, s26, s11, $0xb8;
	[tilespmem:$0x16400] =	vst v63  }
0x51: {  	_ =	swait.ge [sflag:s18], $0x4000  }
0x52: {  	[sflag:s18] =	ssyncset.done $0x0  }
0x53: {  	[sflag:s18] =	ssyncadd.s32 $0xFFFFC000  }
0x54: {  	_ =	swait.ge [sflag:s18], $0x4000  }
0x55: {  	[sflag:s18] =	ssyncset.done $0x0  }
0x56: {  	[sflag:s18] =	ssyncadd.s32 $0xFFFFC000  }
0x57: {  	[hbm4b:s6+s3] =	stream.linear.scatter [tilespmem:s12], [sflag:$0x4], $0x8000, $0x38;
	[tilespmem:$0x16400] =	vst v63  }
0x58: {  	_ =	swait.ge [sflag:s19], $0x4000  }
0x59: {  	[sflag:s19] =	ssyncset.done $0x0  }
0x5a: {  	[sflag:s19] =	ssyncadd.s32 $0xFFFFC000  }
0x5b: {  	_ =	swait.ge [sflag:s19], $0x4000  }
0x5c: {  	[sflag:s19] =	ssyncset.done $0x0  }
0x5d: {  	s22 =	sadd.s32 $0x1, s22;
	[sflag:s19] =	ssyncadd.s32 $0xFFFFC000  }
0x5e: {  	[hbm4b:s7+s3] =	stream.linear.scatter [tilespmem:s15], [sflag:$0x5], $0x8000, $0x38;
	[tilespmem:$0x16400] =	vst v63  }
0x5f: {  	p0 =	sne.s32 s22, s5;
	_ =	swait.ge [sflag:s20], $0x8000  }
.Ltmp1:
0x60: {  	[sflag:s20] =	ssyncset.done $0x0;
	(pc) =	sbr.rel @p0 .LBB2_1-.Ltmp1, $4  }
0x61: {  	[sflag:s20] =	ssyncadd.s32 $0xFFFF8000  }
0x62: {  	_ =	swait.ge [sflag:s21], $0x8000  }
0x63: {  	[sflag:s21] =	ssyncset.done $0x0  }
0x64: {  	[sflag:s21] =	ssyncadd.s32 $0xFFFF8000  }
0x65: {  	_ =	sfence.sel $0x180000  }
0x66: {  	[bflag:$0x0] =	sbarrier.arrive $0xFFFF  }
0x67: {  	p0 =	sne.s32 s0, $0x0;
	_ =	strace $0x90000047  }
0x68: {  	s0 =	sadd.s32 @!p0 $0x100000, s1;
	[bflag:$0x2] =	sbarrier.arrive $0xFFFF  }
0x69: {  	[sflag:s0] =	ssyncadd.tile.s32 @!p0 $0x1;
	_ =	shalt  }
.Lfunc_end2:
_tile_overlayer_lowered:
.L_overlay_start_2:
0x6a: {  	(tag) =	ssettag $0x2  }
0x6b: {  	s0 =	rddreg [dreg:$0x0];
	s2 =	stileid.u32  }
0x6c: {  	s1 =	rddreg [dreg:$0x1];
	p0 =	sne.s32 s2, $0x0  }
0x6d: {  	s3 =	rddreg [dreg:$0x2];
	[bflag:$0x3] =	sbarrier.arrive $0xFFFF;
	s2 =	simm.s32 @!p0 $0x1C06  }
0x6e: {  	[timem:s3], [sflag:s2] =	dma.local @!p0 [hbm:s0], s1  }
0x6f: {  	s0 =	simm.s32 @!p0 $0x6  }
0x70: {  	_ =	swait.ge @!p0 [sflag:s0], s1  }
0x71: {  	s1 =	ssub.s32 @!p0 $0x0, s1;
	[sflag:s0] =	ssyncset.done @!p0 $0x0  }
0x72: {  	[sflag:s0] =	ssyncadd.s32 @!p0 s1  }
0x73: {  	[bflag:$0x3] =	sbarrier.arrive $0xFFFF  }
0x74: {  	_ =	shalt  }

</sc_bundles>
